<compile_context>
chip_gen: v7x
topology: tpu7x:2x2x1
jax: 0.10.2.dev20260603
libtpu: 0.0.44.dev20260713+nightly
codegen_flags: <defaults>
</compile_context>

<pallas_src>
import functools

import jax
import jax.numpy as jnp
from jax import lax
from jax.experimental import pallas as pl
from jax.experimental.pallas import tpu as pltpu
from jax.experimental.pallas import tpu_sc as plsc

B, S, H = 8, 512, 512
G, V = 2, 320
D = 128
N = B * S
TB = 1024
GRID = N // TB

NUM_WORKERS = 32
TOK_W = N // NUM_WORKERS


def _tc_body(x_ref, w_ref, b_ref, idx0_ref, idx1_ref, perp_ref, acc_ref):
    step = pl.program_id(0)
    x = x_ref[...]
    w = w_ref[...]
    ht = lax.dot_general(w, x, (((1,), (1,)), ((), ())),
                         preferred_element_type=jnp.float32)
    ht = ht + b_ref[...]
    h0 = ht[:V, :]
    h1 = ht[V:, :]
    a0 = jnp.argmax(h0, axis=0).astype(jnp.int32)
    a1 = jnp.argmax(h1, axis=0).astype(jnp.int32)
    idx0_ref[...] = a0
    idx1_ref[...] = a1 + V

    iot = lax.broadcasted_iota(jnp.int32, (V, TB), 0)
    oh0 = (iot == a0[None, :]).astype(jnp.bfloat16)
    oh1 = (iot == a1[None, :]).astype(jnp.bfloat16)
    ones = jnp.ones((TB, 1), jnp.bfloat16)
    c0 = lax.dot_general(oh0, ones, (((1,), (0,)), ((), ())),
                         preferred_element_type=jnp.float32)
    c1 = lax.dot_general(oh1, ones, (((1,), (0,)), ((), ())),
                         preferred_element_type=jnp.float32)

    @pl.when(step == 0)
    def _init():
        acc_ref[...] = jnp.zeros_like(acc_ref)

    acc_ref[:, 0:1] += c0
    acc_ref[:, 1:2] += c1

    @pl.when(step == GRID - 1)
    def _final():
        p = acc_ref[...] * (1.0 / N)
        ent = -jnp.sum(p * jnp.log(p + 1e-7), axis=0,
                       keepdims=True)
        perp_ref[...] = jnp.sum(jnp.exp(ent), axis=1,
                                keepdims=True)


_tc_call = pl.pallas_call(
    _tc_body,
    grid=(GRID,),
    in_specs=[
        pl.BlockSpec((TB, H), lambda i: (i, 0)),
        pl.BlockSpec((G * V, H), lambda i: (0, 0)),
        pl.BlockSpec((G * V, 1), lambda i: (0, 0)),
    ],
    out_specs=[
        pl.BlockSpec((TB,), lambda i: (i,)),
        pl.BlockSpec((TB,), lambda i: (i,)),
        pl.BlockSpec((1, 1), lambda i: (0, 0)),
    ],
    out_shape=[
        jax.ShapeDtypeStruct((N,), jnp.int32),
        jax.ShapeDtypeStruct((N,), jnp.int32),
        jax.ShapeDtypeStruct((1, 1), jnp.float32),
    ],
    scratch_shapes=[pltpu.VMEM((V, 2), jnp.float32)],
)


def _sc_gather_body(table_hbm, idx0_hbm, idx1_hbm, out_hbm,
                    idx0_v, idx1_v, rows0_v, rows1_v, sem0, sem1, sem2, sem3):
    wid = lax.axis_index("s") * 2 + lax.axis_index("c")
    base = wid * TOK_W
    ld0 = pltpu.async_copy(idx0_hbm.at[pl.ds(base, TOK_W)], idx0_v, sem0)
    ld1 = pltpu.async_copy(idx1_hbm.at[pl.ds(base, TOK_W)], idx1_v, sem1)
    ld0.wait()
    g0 = pltpu.async_copy(table_hbm.at[idx0_v], rows0_v, sem2)
    ld1.wait()
    g1 = pltpu.async_copy(table_hbm.at[idx1_v], rows1_v, sem3)
    g0.wait()
    st0 = pltpu.async_copy(rows0_v, out_hbm.at[pl.ds(base, TOK_W), pl.ds(0, D)],
                           sem0)
    g1.wait()
    st1 = pltpu.async_copy(rows1_v, out_hbm.at[pl.ds(base, TOK_W), pl.ds(D, D)],
                           sem1)
    st0.wait()
    st1.wait()


@functools.cache
def _sc_gather():
    return functools.partial(
        pl.kernel,
        out_type=jax.ShapeDtypeStruct((N, G * D), jnp.float32),
        mesh=plsc.VectorSubcoreMesh(core_axis_name="c", subcore_axis_name="s"),
        scratch_types=[
            pltpu.VMEM((TOK_W,), jnp.int32),
            pltpu.VMEM((TOK_W,), jnp.int32),
            pltpu.VMEM((TOK_W, D), jnp.float32),
            pltpu.VMEM((TOK_W, D), jnp.float32),
            pltpu.SemaphoreType.DMA,
            pltpu.SemaphoreType.DMA,
            pltpu.SemaphoreType.DMA,
            pltpu.SemaphoreType.DMA,
        ],
    )(_sc_gather_body)


def kernel(hidden_states, W, b, codevectors):
    hs2 = hidden_states.reshape(N, H)
    b2 = b.reshape(G * V, 1)
    table = codevectors.reshape(G * V, D)
    idx0, idx1, perp = _tc_call(hs2, W, b2)
    cv = _sc_gather()(table, idx0, idx1)
    return cv.reshape(B, S, G * D), perp[0, 0]

# --- scband reference (transcript-rebuilt; emitter-appended) ---
"""Pipeline reference for scband-wav2-vec2-gumbel-vector-quantizer-34909494181920 (READ-ONLY COPY).

The authoritative reference and input builder live on the scoring server;
editing this copy changes nothing except your own understanding.
"""

import jax, jax.numpy as jnp
import numpy as np

B, S, H = 8, 512, 512
G, V = 2, 320
CODE_DIM = 256  # per-group dim = CODE_DIM // G = 128


def setup_inputs(seed: int = 0) -> dict:
    key = jax.random.key(seed)
    k1, k2, k3, k4 = jax.random.split(key, 4)
    hidden_states = jax.random.normal(k1, (B, S, H), dtype=jnp.float32)
    # weight_proj: Linear(H, G*V)
    W = jax.random.normal(k2, (G * V, H), dtype=jnp.float32) * (1.0 / np.sqrt(H))
    b = jnp.zeros((G * V,), dtype=jnp.float32)
    # codevectors: [1, G*V, CODE_DIM // G]
    codevectors = jax.random.normal(k3, (1, G * V, CODE_DIM // G), dtype=jnp.float32)
    return {"hidden_states": hidden_states, "W": W, "b": b, "codevectors": codevectors}


def reference(hidden_states, W, b, codevectors):
    # eval-mode path (deterministic argmax hard assignment)
    batch_size, sequence_length, hidden_size = hidden_states.shape
    h = hidden_states @ W.T + b  # [B, S, G*V]
    h = h.reshape(batch_size * sequence_length * G, V)
    codevector_idx = jnp.argmax(h, axis=-1)
    codevector_probs = jnp.zeros_like(h).at[jnp.arange(h.shape[0]), codevector_idx].set(1.0)
    probs_g = codevector_probs.reshape(batch_size * sequence_length, G, V)
    # perplexity (mask_time_indices=None)
    marginal_probs = probs_g.mean(axis=0)
    perplexity = jnp.exp(-jnp.sum(marginal_probs * jnp.log(marginal_probs + 1e-7), axis=-1)).sum()
    # weighted codevector sum
    cp = codevector_probs.reshape(batch_size * sequence_length, G * V)
    codevectors_per_group = cp[:, :, None] * codevectors  # [BS, G*V, d]
    cv = codevectors_per_group.reshape(batch_size * sequence_length, G, V, -1)
    cv = cv.sum(axis=-2)  # [BS, G, d]
    cv = cv.reshape(batch_size, sequence_length, -1)  # [B, S, CODE_DIM]
    return cv, perplexity

if __name__ == "__main__":
    import jax
    _d = setup_inputs()
    print(jax.jit(kernel)(*tuple(_d.values())))

</pallas_src>

<mosaic_0001>
#map = affine_map<(d0, d1) -> (0, 0)>
#map1 = affine_map<(d0, d1) -> (0)>
module attributes {stable_mosaic.version = 14 : i64} {
  func.func @_sc_gather_body(%arg0: i32, %arg1: i32, %arg2: memref<640x128xf32, #tpu.memory_space<hbm>>, %arg3: memref<4096xi32, #tpu.memory_space<hbm>>, %arg4: memref<4096xi32, #tpu.memory_space<hbm>>, %arg5: memref<4096x256xf32, #tpu.memory_space<hbm>>, %arg6: memref<128xi32, #tpu.memory_space<vmem>>, %arg7: memref<128xi32, #tpu.memory_space<vmem>>, %arg8: memref<128x128xf32, #tpu.memory_space<vmem>>, %arg9: memref<128x128xf32, #tpu.memory_space<vmem>>, %arg10: memref<!tpu.dma_semaphore, #tpu.memory_space<semaphore_mem>>, %arg11: memref<!tpu.dma_semaphore, #tpu.memory_space<semaphore_mem>>, %arg12: memref<!tpu.dma_semaphore, #tpu.memory_space<semaphore_mem>>, %arg13: memref<!tpu.dma_semaphore, #tpu.memory_space<semaphore_mem>>) attributes {dimension_semantics = [#tpu.dimension_semantics<core_parallel>, #tpu.dimension_semantics<subcore_parallel>], iteration_bounds = array<i64: 2, 16>, scalar_prefetch = 0 : i64, scratch_operands = 8 : i64, tpu.core_type = #tpu.core_type<sc_vector_subcore>, window_params = [{transform_indices = #map}, {transform_indices = #map1}, {transform_indices = #map1}, {transform_indices = #map}]} {
    %mul3A = arith.constant 2 : i32
    %mul3A_0 = arith.muli %arg1, %mul3A : i32
    %add3A = arith.addi %mul3A_0, %arg0 : i32
    %mul3A_1 = arith.constant 128 : i32
    %mul3A_2 = arith.muli %add3A, %mul3A_1 : i32
    %dma_start3A = tpu.memref_slice %arg3[%mul3A_2] : memref<4096xi32, #tpu.memory_space<hbm>> -> memref<128xi32, #tpu.memory_space<hbm>>
    %dma_start3A_3 = tpu.memref_slice %arg3[%mul3A_2] : memref<4096xi32, #tpu.memory_space<hbm>> -> memref<128xi32, #tpu.memory_space<hbm>>
    tpu.enqueue_dma source(%dma_start3A_3 : memref<128xi32, #tpu.memory_space<hbm>>) target(%arg6 : memref<128xi32, #tpu.memory_space<vmem>>) target_semaphore(%arg10 : memref<!tpu.dma_semaphore, #tpu.memory_space<semaphore_mem>>)
    %dma_start3A_4 = tpu.memref_slice %arg4[%mul3A_2] : memref<4096xi32, #tpu.memory_space<hbm>> -> memref<128xi32, #tpu.memory_space<hbm>>
    %dma_start3A_5 = tpu.memref_slice %arg4[%mul3A_2] : memref<4096xi32, #tpu.memory_space<hbm>> -> memref<128xi32, #tpu.memory_space<hbm>>
    tpu.enqueue_dma source(%dma_start3A_5 : memref<128xi32, #tpu.memory_space<hbm>>) target(%arg7 : memref<128xi32, #tpu.memory_space<vmem>>) target_semaphore(%arg11 : memref<!tpu.dma_semaphore, #tpu.memory_space<semaphore_mem>>)
    %dma_wait3A = tpu.memref_slice %arg3[%mul3A_2] : memref<4096xi32, #tpu.memory_space<hbm>> -> memref<128xi32, #tpu.memory_space<hbm>>
    %dma_wait3A_6 = tpu.memref_slice %arg3[%mul3A_2] : memref<4096xi32, #tpu.memory_space<hbm>> -> memref<128xi32, #tpu.memory_space<hbm>>
    tpu.wait_dma2 semaphore(%arg10 : memref<!tpu.dma_semaphore, #tpu.memory_space<semaphore_mem>>) src(%dma_wait3A_6 : memref<128xi32, #tpu.memory_space<hbm>>) dst(%arg6 : memref<128xi32, #tpu.memory_space<vmem>>)
    %dma_start3A_7 = arith.constant 0 : i32
    %dma_start3A_8 = arith.constant 0 : i32
    %dma_start3A_9 = tpu.memref_slice %arg2[%dma_start3A_7, %dma_start3A_8] : memref<640x128xf32, #tpu.memory_space<hbm>> -> memref<640x128xf32, #tpu.memory_space<hbm>>
    tpu.enqueue_indirect_dma source(%dma_start3A_9 : memref<640x128xf32, #tpu.memory_space<hbm>>) target(%arg8 : memref<128x128xf32, #tpu.memory_space<vmem>>) offsets(%arg6 : memref<128xi32, #tpu.memory_space<vmem>>) semaphore(%arg12 : memref<!tpu.dma_semaphore, #tpu.memory_space<semaphore_mem>>)
    %dma_wait3A_10 = tpu.memref_slice %arg4[%mul3A_2] : memref<4096xi32, #tpu.memory_space<hbm>> -> memref<128xi32, #tpu.memory_space<hbm>>
    %dma_wait3A_11 = tpu.memref_slice %arg4[%mul3A_2] : memref<4096xi32, #tpu.memory_space<hbm>> -> memref<128xi32, #tpu.memory_space<hbm>>
    tpu.wait_dma2 semaphore(%arg11 : memref<!tpu.dma_semaphore, #tpu.memory_space<semaphore_mem>>) src(%dma_wait3A_11 : memref<128xi32, #tpu.memory_space<hbm>>) dst(%arg7 : memref<128xi32, #tpu.memory_space<vmem>>)
    %dma_start3A_12 = arith.constant 0 : i32
    %dma_start3A_13 = arith.constant 0 : i32
    %dma_start3A_14 = tpu.memref_slice %arg2[%dma_start3A_12, %dma_start3A_13] : memref<640x128xf32, #tpu.memory_space<hbm>> -> memref<640x128xf32, #tpu.memory_space<hbm>>
    tpu.enqueue_indirect_dma source(%dma_start3A_14 : memref<640x128xf32, #tpu.memory_space<hbm>>) target(%arg9 : memref<128x128xf32, #tpu.memory_space<vmem>>) offsets(%arg7 : memref<128xi32, #tpu.memory_space<vmem>>) semaphore(%arg13 : memref<!tpu.dma_semaphore, #tpu.memory_space<semaphore_mem>>)
    %dma_wait3A_15 = arith.constant 0 : i32
    %dma_wait3A_16 = arith.constant 0 : i32
    %dma_wait3A_17 = tpu.memref_slice %arg2[%dma_wait3A_15, %dma_wait3A_16] : memref<640x128xf32, #tpu.memory_space<hbm>> -> memref<640x128xf32, #tpu.memory_space<hbm>>
    tpu.wait_indirect_dma semaphore(%arg12 : memref<!tpu.dma_semaphore, #tpu.memory_space<semaphore_mem>>) src(%dma_wait3A_17 : memref<640x128xf32, #tpu.memory_space<hbm>>) dst(%arg8 : memref<128x128xf32, #tpu.memory_space<vmem>>)
    %dma_start3A_18 = arith.constant 0 : i32
    %dma_start3A_19 = tpu.memref_slice %arg5[%mul3A_2, %dma_start3A_18] : memref<4096x256xf32, #tpu.memory_space<hbm>> -> memref<128x128xf32, #tpu.memory_space<hbm>>
    %dma_start3A_20 = arith.constant 0 : i32
    %dma_start3A_21 = tpu.memref_slice %arg5[%mul3A_2, %dma_start3A_20] : memref<4096x256xf32, #tpu.memory_space<hbm>> -> memref<128x128xf32, #tpu.memory_space<hbm>>
    tpu.enqueue_dma source(%arg8 : memref<128x128xf32, #tpu.memory_space<vmem>>) target(%dma_start3A_21 : memref<128x128xf32, #tpu.memory_space<hbm>>) target_semaphore(%arg10 : memref<!tpu.dma_semaphore, #tpu.memory_space<semaphore_mem>>)
    %dma_wait3A_22 = arith.constant 0 : i32
    %dma_wait3A_23 = arith.constant 0 : i32
    %dma_wait3A_24 = tpu.memref_slice %arg2[%dma_wait3A_22, %dma_wait3A_23] : memref<640x128xf32, #tpu.memory_space<hbm>> -> memref<640x128xf32, #tpu.memory_space<hbm>>
    tpu.wait_indirect_dma semaphore(%arg13 : memref<!tpu.dma_semaphore, #tpu.memory_space<semaphore_mem>>) src(%dma_wait3A_24 : memref<640x128xf32, #tpu.memory_space<hbm>>) dst(%arg9 : memref<128x128xf32, #tpu.memory_space<vmem>>)
    %dma_start3A_25 = arith.constant 128 : i32
    %dma_start3A_26 = tpu.memref_slice %arg5[%mul3A_2, %dma_start3A_25] : memref<4096x256xf32, #tpu.memory_space<hbm>> -> memref<128x128xf32, #tpu.memory_space<hbm>>
    %dma_start3A_27 = arith.constant 128 : i32
    %dma_start3A_28 = tpu.memref_slice %arg5[%mul3A_2, %dma_start3A_27] : memref<4096x256xf32, #tpu.memory_space<hbm>> -> memref<128x128xf32, #tpu.memory_space<hbm>>
    tpu.enqueue_dma source(%arg9 : memref<128x128xf32, #tpu.memory_space<vmem>>) target(%dma_start3A_28 : memref<128x128xf32, #tpu.memory_space<hbm>>) target_semaphore(%arg11 : memref<!tpu.dma_semaphore, #tpu.memory_space<semaphore_mem>>)
    %dma_wait3A_29 = arith.constant 0 : i32
    %dma_wait3A_30 = tpu.memref_slice %arg5[%mul3A_2, %dma_wait3A_29] : memref<4096x256xf32, #tpu.memory_space<hbm>> -> memref<128x128xf32, #tpu.memory_space<hbm>>
    %dma_wait3A_31 = arith.constant 0 : i32
    %dma_wait3A_32 = tpu.memref_slice %arg5[%mul3A_2, %dma_wait3A_31] : memref<4096x256xf32, #tpu.memory_space<hbm>> -> memref<128x128xf32, #tpu.memory_space<hbm>>
    tpu.wait_dma2 semaphore(%arg10 : memref<!tpu.dma_semaphore, #tpu.memory_space<semaphore_mem>>) src(%arg8 : memref<128x128xf32, #tpu.memory_space<vmem>>) dst(%dma_wait3A_32 : memref<128x128xf32, #tpu.memory_space<hbm>>)
    %dma_wait3A_33 = arith.constant 128 : i32
    %dma_wait3A_34 = tpu.memref_slice %arg5[%mul3A_2, %dma_wait3A_33] : memref<4096x256xf32, #tpu.memory_space<hbm>> -> memref<128x128xf32, #tpu.memory_space<hbm>>
    %dma_wait3A_35 = arith.constant 128 : i32
    %dma_wait3A_36 = tpu.memref_slice %arg5[%mul3A_2, %dma_wait3A_35] : memref<4096x256xf32, #tpu.memory_space<hbm>> -> memref<128x128xf32, #tpu.memory_space<hbm>>
    tpu.wait_dma2 semaphore(%arg11 : memref<!tpu.dma_semaphore, #tpu.memory_space<semaphore_mem>>) src(%arg9 : memref<128x128xf32, #tpu.memory_space<vmem>>) dst(%dma_wait3A_36 : memref<128x128xf32, #tpu.memory_space<hbm>>)
    return
  }
}

module attributes {stable_mosaic.version = 14 : i64} {
  func.func @_tc_body(%arg0: i32, %arg1: memref<1024x512xf32, #tpu.memory_space<vmem>>, %arg2: memref<640x512xf32, #tpu.memory_space<vmem>>, %arg3: memref<640x1xf32, #tpu.memory_space<vmem>>, %arg4: memref<1024xi32, #tpu.memory_space<vmem>>, %arg5: memref<1024xi32, #tpu.memory_space<vmem>>, %arg6: memref<1x1xf32, #tpu.memory_space<vmem>>, %arg7: memref<320x2xf32, #tpu.memory_space<vmem>>) attributes {dimension_semantics = [#tpu.dimension_semantics<arbitrary>], iteration_bounds = array<i64: 4>, scalar_prefetch = 0 : i64, scratch_operands = 1 : i64, tpu.core_type = #tpu.core_type<tc>, window_params = [{transform_indices = @transform_0, window_bounds = array<i64: 1024, 512>}, {pipeline_mode = #tpu.pipeline_mode<synchronous>, transform_indices = @transform_1, window_bounds = array<i64: 640, 512>}, {pipeline_mode = #tpu.pipeline_mode<synchronous>, transform_indices = @transform_2, window_bounds = array<i64: 640, 1>}, {transform_indices = @transform_3, window_bounds = array<i64: 1024>}, {transform_indices = @transform_4, window_bounds = array<i64: 1024>}, {pipeline_mode = #tpu.pipeline_mode<synchronous>, transform_indices = @transform_5, window_bounds = array<i64: 1, 1>}]} {
    %get3A = arith.constant 0 : index
    %get3A_0 = arith.constant 0 : index
    %get3A_1 = vector.load %arg1[%get3A, %get3A_0] : memref<1024x512xf32, #tpu.memory_space<vmem>>, vector<1024x512xf32>
    %get3A_2 = arith.constant 0 : index
    %get3A_3 = arith.constant 0 : index
    %get3A_4 = vector.load %arg2[%get3A_2, %get3A_3] : memref<640x512xf32, #tpu.memory_space<vmem>>, vector<640x512xf32>
    %dot_general3A = arith.constant dense<0.000000e+00> : vector<640x1024xf32>
    %dot_general3A_5 = tpu.matmul %get3A_4, %get3A_1, %dot_general3A {dimension_numbers = #tpu.dot_dimension_numbers<[1], [1], [0], [0], [0, 0, 1, 0], [], []>, transpose_lhs_hint = false} : vector<640x512xf32>, vector<1024x512xf32>, vector<640x1024xf32> -> vector<640x1024xf32>
    %get3A_6 = arith.constant 0 : index
    %get3A_7 = arith.constant 0 : index
    %get3A_8 = vector.load %arg3[%get3A_6, %get3A_7] : memref<640x1xf32, #tpu.memory_space<vmem>>, vector<640x1xf32>
    %add3A = vector.broadcast %get3A_8 : vector<640x1xf32> to vector<640x1024xf32>
    %add3A_9 = arith.addf %dot_general3A_5, %add3A : vector<640x1024xf32>
    %slice3A = vector.extract_strided_slice %add3A_9 {offsets = [0, 0], sizes = [320, 1024], strides = [1, 1]} : vector<640x1024xf32> to vector<320x1024xf32>
    %slice3A_10 = vector.extract_strided_slice %add3A_9 {offsets = [320, 0], sizes = [320, 1024], strides = [1, 1]} : vector<640x1024xf32> to vector<320x1024xf32>
    %argmax3A = tpu.reduce_index %slice3A {axis = 0 : i32, kind = #tpu.reduction_kind<arg_max>} : vector<320x1024xf32> -> vector<1024xi32>
    %argmax3A_11 = tpu.reduce_index %slice3A_10 {axis = 0 : i32, kind = #tpu.reduction_kind<arg_max>} : vector<320x1024xf32> -> vector<1024xi32>
    %swap3A = arith.constant 0 : index
    %swap3A_12 = vector.load %arg4[%swap3A] : memref<1024xi32, #tpu.memory_space<vmem>>, vector<1024xi32>
    tpu.vector_store %arg4[%swap3A], %argmax3A {strides = array<i32>} : memref<1024xi32, #tpu.memory_space<vmem>>, vector<1024xi32>,
    %add3A_13 = arith.constant 320 : i32
    %add3A_14 = vector.broadcast %add3A_13 : i32 to vector<1024xi32>
    %add3A_15 = arith.addi %argmax3A_11, %add3A_14 : vector<1024xi32>
    %swap3A_16 = arith.constant 0 : index
    %swap3A_17 = vector.load %arg5[%swap3A_16] : memref<1024xi32, #tpu.memory_space<vmem>>, vector<1024xi32>
    tpu.vector_store %arg5[%swap3A_16], %add3A_15 {strides = array<i32>} : memref<1024xi32, #tpu.memory_space<vmem>>, vector<1024xi32>,
    %iota3A = tpu.iota {dimensions = array<i32: 0>} : vector<320x1024xi32>
    %broadcast_in_dim3A = vector.shape_cast %argmax3A : vector<1024xi32> to vector<1x1024xi32>
    %eq3A = vector.broadcast %broadcast_in_dim3A : vector<1x1024xi32> to vector<320x1024xi32>
    %eq3A_18 = arith.cmpi eq, %iota3A, %eq3A : vector<320x1024xi32>
    %convert_element_type3A = arith.extui %eq3A_18 : vector<320x1024xi1> to vector<320x1024xi32>
    %convert_element_type3A_19 = arith.sitofp %convert_element_type3A : vector<320x1024xi32> to vector<320x1024xf32>
    %convert_element_type3A_20 = arith.truncf %convert_element_type3A_19 : vector<320x1024xf32> to vector<320x1024xbf16>
    %broadcast_in_dim3A_21 = vector.shape_cast %argmax3A_11 : vector<1024xi32> to vector<1x1024xi32>
    %eq3A_22 = vector.broadcast %broadcast_in_dim3A_21 : vector<1x1024xi32> to vector<320x1024xi32>
    %eq3A_23 = arith.cmpi eq, %iota3A, %eq3A_22 : vector<320x1024xi32>
    %convert_element_type3A_24 = arith.extui %eq3A_23 : vector<320x1024xi1> to vector<320x1024xi32>
    %convert_element_type3A_25 = arith.sitofp %convert_element_type3A_24 : vector<320x1024xi32> to vector<320x1024xf32>
    %convert_element_type3A_26 = arith.truncf %convert_element_type3A_25 : vector<320x1024xf32> to vector<320x1024xbf16>
    %broadcast_in_dim3A_27 = arith.constant 1.000000e+00 : bf16
    %broadcast_in_dim3A_28 = vector.broadcast %broadcast_in_dim3A_27 : bf16 to vector<1024x1xbf16>
    %dot_general3A_29 = arith.constant dense<0.000000e+00> : vector<320x1xf32>
    %dot_general3A_30 = tpu.matmul %convert_element_type3A_20, %broadcast_in_dim3A_28, %dot_general3A_29 {dimension_numbers = #tpu.dot_dimension_numbers<[1], [0], [0], [1], [0, 0, 1, 1], [], []>, transpose_lhs_hint = false} : vector<320x1024xbf16>, vector<1024x1xbf16>, vector<320x1xf32> -> vector<320x1xf32>
    %dot_general3A_31 = arith.constant dense<0.000000e+00> : vector<320x1xf32>
    %dot_general3A_32 = tpu.matmul %convert_element_type3A_26, %broadcast_in_dim3A_28, %dot_general3A_31 {dimension_numbers = #tpu.dot_dimension_numbers<[1], [0], [0], [1], [0, 0, 1, 1], [], []>, transpose_lhs_hint = false} : vector<320x1024xbf16>, vector<1024x1xbf16>, vector<320x1xf32> -> vector<320x1xf32>
    %eq3A_33 = arith.constant 0 : i32
    %eq3A_34 = arith.cmpi eq, %arg0, %eq3A_33 : i32
    %convert_element_type3A_35 = arith.extui %eq3A_34 : i1 to i32
    %cond3A = arith.constant 0 : i32
    %cond3A_36 = arith.cmpi ne, %convert_element_type3A_35, %cond3A : i32
    scf.if %cond3A_36 {
      %broadcast_in_dim3A_56 = arith.constant 0.000000e+00 : f32
      %broadcast_in_dim3A_57 = vector.broadcast %broadcast_in_dim3A_56 : f32 to vector<320x2xf32>
      %swap3A_58 = arith.constant 0 : index
      %swap3A_59 = arith.constant 0 : index
      %swap3A_60 = vector.load %arg7[%swap3A_58, %swap3A_59] : memref<320x2xf32, #tpu.memory_space<vmem>>, vector<320x2xf32>
      tpu.vector_store %arg7[%swap3A_58, %swap3A_59], %broadcast_in_dim3A_57 {strides = array<i32>} : memref<320x2xf32, #tpu.memory_space<vmem>>, vector<320x2xf32>,
    } else {
    }
    %get3A_37 = arith.constant 0 : index
    %get3A_38 = arith.constant 0 : index
    %get3A_39 = vector.load %arg7[%get3A_37, %get3A_38] : memref<320x2xf32, #tpu.memory_space<vmem>>, vector<320x1xf32>
    %add3A_40 = arith.addf %get3A_39, %dot_general3A_30 : vector<320x1xf32>
    %swap3A_41 = arith.constant 0 : index
    %swap3A_42 = arith.constant 0 : index
    %swap3A_43 = vector.load %arg7[%swap3A_41, %swap3A_42] : memref<320x2xf32, #tpu.memory_space<vmem>>, vector<320x1xf32>
    tpu.vector_store %arg7[%swap3A_41, %swap3A_42], %add3A_40 {strides = array<i32>} : memref<320x2xf32, #tpu.memory_space<vmem>>, vector<320x1xf32>,
    %get3A_44 = arith.constant 0 : index
    %get3A_45 = arith.constant 1 : index
    %get3A_46 = vector.load %arg7[%get3A_44, %get3A_45] : memref<320x2xf32, #tpu.memory_space<vmem>>, vector<320x1xf32>
    %add3A_47 = arith.addf %get3A_46, %dot_general3A_32 : vector<320x1xf32>
    %swap3A_48 = arith.constant 0 : index
    %swap3A_49 = arith.constant 1 : index
    %swap3A_50 = vector.load %arg7[%swap3A_48, %swap3A_49] : memref<320x2xf32, #tpu.memory_space<vmem>>, vector<320x1xf32>
    tpu.vector_store %arg7[%swap3A_48, %swap3A_49], %add3A_47 {strides = array<i32>} : memref<320x2xf32, #tpu.memory_space<vmem>>, vector<320x1xf32>,
    %eq3A_51 = arith.constant 3 : i32
    %eq3A_52 = arith.cmpi eq, %arg0, %eq3A_51 : i32
    %convert_element_type3A_53 = arith.extui %eq3A_52 : i1 to i32
    %cond3A_54 = arith.constant 0 : i32
    %cond3A_55 = arith.cmpi ne, %convert_element_type3A_53, %cond3A_54 : i32
    scf.if %cond3A_55 {
      %get3A_56 = arith.constant 0 : index
      %get3A_57 = arith.constant 0 : index
      %get3A_58 = vector.load %arg7[%get3A_56, %get3A_57] : memref<320x2xf32, #tpu.memory_space<vmem>>, vector<320x2xf32>
      %mul3A = arith.constant 2.44140625E-4 : f32
      %mul3A_59 = vector.broadcast %mul3A : f32 to vector<320x2xf32>
      %mul3A_60 = arith.mulf %get3A_58, %mul3A_59 : vector<320x2xf32>
      %add3A_61 = arith.constant 1.000000e-07 : f32
      %add3A_62 = vector.broadcast %add3A_61 : f32 to vector<320x2xf32>
      %add3A_63 = arith.addf %mul3A_60, %add3A_62 : vector<320x2xf32>
      %log3A = math.log %add3A_63 : vector<320x2xf32>
      %mul3A_64 = arith.mulf %mul3A_60, %log3A : vector<320x2xf32>
      %reduce_sum3A = arith.constant dense<0.000000e+00> : vector<2xf32>
      %reduce_sum3A_65 = vector.multi_reduction <add>, %mul3A_64, %reduce_sum3A [0] : vector<320x2xf32> to vector<2xf32>
      %broadcast_in_dim3A_66 = vector.shape_cast %reduce_sum3A_65 : vector<2xf32> to vector<1x2xf32>
      %neg3A = arith.constant 0.000000e+00 : f32
      %neg3A_67 = vector.broadcast %neg3A : f32 to vector<1x2xf32>
      %neg3A_68 = arith.subf %neg3A_67, %broadcast_in_dim3A_66 : vector<1x2xf32>
      %exp3A = math.exp %neg3A_68 : vector<1x2xf32>
      %reduce_sum3A_69 = arith.constant dense<0.000000e+00> : vector<1xf32>
      %reduce_sum3A_70 = vector.multi_reduction <add>, %exp3A, %reduce_sum3A_69 [1] : vector<1x2xf32> to vector<1xf32>
      %broadcast_in_dim3A_71 = vector.shape_cast %reduce_sum3A_70 : vector<1xf32> to vector<1x1xf32>
      %swap3A_72 = arith.constant 0 : index
      %swap3A_73 = arith.constant 0 : index
      %swap3A_74 = vector.load %arg6[%swap3A_72, %swap3A_73] : memref<1x1xf32, #tpu.memory_space<vmem>>, vector<1x1xf32>
      tpu.vector_store %arg6[%swap3A_72, %swap3A_73], %broadcast_in_dim3A_71 {strides = array<i32>} : memref<1x1xf32, #tpu.memory_space<vmem>>, vector<1x1xf32>,
    } else {
    }
    return
  }
  func.func @transform_0(%arg0: i32) -> (i32, i32) {
    %c0_i32 = arith.constant 0 : i32
    %c0_i32_0 = arith.constant 0 : i32
    return %arg0, %c0_i32 : i32, i32
  }
  func.func @transform_1(%arg0: i32) -> (i32, i32) {
    %c0_i32 = arith.constant 0 : i32
    %c0_i32_0 = arith.constant 0 : i32
    %c0_i32_1 = arith.constant 0 : i32
    return %c0_i32, %c0_i32_0 : i32, i32
  }
  func.func @transform_2(%arg0: i32) -> (i32, i32) {
    %c0_i32 = arith.constant 0 : i32
    %c0_i32_0 = arith.constant 0 : i32
    %c0_i32_1 = arith.constant 0 : i32
    return %c0_i32, %c0_i32_0 : i32, i32
  }
  func.func @transform_3(%arg0: i32) -> i32 {
    %c0_i32 = arith.constant 0 : i32
    return %arg0 : i32
  }
  func.func @transform_4(%arg0: i32) -> i32 {
    %c0_i32 = arith.constant 0 : i32
    return %arg0 : i32
  }
  func.func @transform_5(%arg0: i32) -> (i32, i32) {
    %c0_i32 = arith.constant 0 : i32
    %c0_i32_0 = arith.constant 0 : i32
    %c0_i32_1 = arith.constant 0 : i32
    return %c0_i32, %c0_i32_0 : i32, i32
  }
}

</mosaic_0001>

<sc_bundles>
// kernel: kernel.4.cloned.1.call-start
scs
__scs_entry_jumppad:
0x0: {  	(pc) =	sbr.rel $0x88, $3  }
0x1: {  	(tag) =	ssettag $0x0;
	lr =	simm.s32 $0x1  }
0x2: {  	[smem:$0x3F9D] =	sst lr;
	_ =	strace $0xD0000000  }
0x3: {  	_ = 	snop  }
0x4: {  	_ = 	snop  }
0x5: {  	_ = 	snop  }
0x6: {  	_ = 	snop  }
0x7: {  	_ = 	snop  }
__scs_overlays_trampoline_lowered:
0x8: {  	[smem:$0x3FAC] =	sst s0  }
0x9: {  	[smem:$0x3FAD] =	sst s1  }
0xa: {  	[smem:$0x3FAE] =	sst s2  }
0xb: {  	[smem:$0x3FAF] =	sst s3  }
0xc: {  	[smem:$0x3FB0] =	sst s4  }
0xd: {  	[smem:$0x3FB1] =	sst s5  }
0xe: {  	[smem:$0x3FB2] =	sst s6  }
0xf: {  	[smem:$0x3FB3] =	sst s7  }
0x10: {  	[smem:$0x3FB4] =	sst s8  }
0x11: {  	[smem:$0x3FB5] =	sst s9;
	s0 =	simm.s32 @!p0 $0x0  }
0x12: {  	s1 =	sld [smem:$0x3F9B];
	s0 =	simm.s32 @p0 $0x1  }
0x13: {  	[smem:$0x3FB6] =	sst s0;
	s0 =	simm.s32 @!p1 $0x0  }
0x14: {  	s2 =	sld [smem:$0x3F9A];
	s0 =	simm.s32 @p1 $0x1  }
0x15: {  	[smem:$0x3FB7] =	sst s0;
	s0 =	simm.s32 @!p2 $0x0  }
0x16: {  	s3 =	sld [smem:$0x3FDB];
	s0 =	simm.s32 @p2 $0x1  }
0x17: {  	s4 =	simm.s32 $0x1BF5;
	[smem:$0x3FB9] =	sst s0  }
0x18: {  	s0 =	sld [smem:$0x3F9C];
	_ =	swait.ge [sflag:s4], $0x0  }
0x19: {  	s7 =	sld [smem:$0x3F9D]  }
0x1a: {  	s8 =	sadd.s32 $0xFFFFE003, lr  }
0x1b: {  	s9 =	sadd.s32 $0xFFFFFEF7, lr;
	s5 =	simm.s32 $0xFFFFFFFF;
	p2 =	slt.u32 s8, $0xFFFFF086  }
0x1c: {  	p1 =	slt.u32 s9, $0xF7A;
	s5 =	simm.s32 @!p2 $0x0  }
0x1d: {  	s5 =	simm.s32 @p1 $0x1;
	p0 =	seq.s32 s7, s2  }
0x1e: {  	s7 =	smul.u32 @!p0 $0xF7A, s2;
	p2 =	seq.s32 @!p0 s5, $0x0  }
0x1f: {  	s9 =	smul.u32 $0xF7A, s1;
	s8 =	simm.s32 @!p0 $0x1BF5;
	p2 =	por !p2, p0  }
0x20: {  	[sflag:s8] =	ssyncset.s32 @!p0 $0xFFFFF086;
	s6 =	sadd.s32 @!p0 s3, s7;
	s7 =	simm.s32 @!p0 $0x108  }
0x21: {  	s3 =	sadd.s32 s3, s9;
	s6 =	sadd.s32 @!p0 $0x88, s6;
	s7 =	simm.s32 @p2 $0x1082  }
0x22: {  	[simem:s7], [sflag:s8] =	dma.local @!p0 [hbm:s6], $0xF7A  }
0x23: {  	s9 =	sor.u32 $0xD0000000, s2;
	s6 =	simm.s32 $0x108;
	_ =	swait.ge @!p0 [sflag:s8], $0x0  }
0x24: {  	s3 =	sadd.s32 $0x88, s3;
	s6 =	simm.s32 @!p1 $0x1082;
	[sflag:s4] =	ssyncset.s32 $0xFFFFF086  }
0x25: {  	[simem:s6], [sflag:s4] =	dma.local [hbm:s3], $0xF7A  }
0x26: {  	[smem:$0x3F9D] =	sst s1;
	(tag) =	ssettag s2;
	_ =	strace s9  }
0x27: {  	s1 =	sld [smem:$0x3FAD]  }
0x28: {  	s2 =	sld [smem:$0x3FAE]  }
0x29: {  	s4 =	sld [smem:$0x3FB0]  }
0x2a: {  	p0 =	seq.s32 s5, $0x0;
	s5 =	sld [smem:$0x3FB1]  }
0x2b: {  	s6 =	sld [smem:$0x3FB2]  }
0x2c: {  	s7 =	sld [smem:$0x3FB3]  }
0x2d: {  	s3 =	simm.s32 $0x108;
	s8 =	sld [smem:$0x3FB4]  }
0x2e: {  	s3 =	simm.s32 @!p0 $0x1082;
	s9 =	sld [smem:$0x3FB5]  }
0x2f: {  	lr =	sadd.s32 s0, s3;
	s0 =	sld [smem:$0x3FAC]  }
0x30: {  	s3 =	sld [smem:$0x3FAF]  }
0x31: {  	[smem:$0x3FB8] =	sst s10  }
0x32: {  	s10 =	sld [smem:$0x3FB6];
	_ =	sdelay $0x3  }
0x33: {  	p0 =	seq.s32 s10, $0x1;
	s10 =	sld [smem:$0x3FB8];
	_ =	sdelay $0x3  }
0x34: {  	[smem:$0x3FB8] =	sst s10  }
0x35: {  	s10 =	sld [smem:$0x3FB7];
	_ =	sdelay $0x3  }
0x36: {  	p1 =	seq.s32 s10, $0x1;
	s10 =	sld [smem:$0x3FB8];
	_ =	sdelay $0x3  }
0x37: {  	[smem:$0x3FB8] =	sst s10  }
0x38: {  	s10 =	sld [smem:$0x3FB9]  }
0x39: {  	_ = 	snop;
	(pc) =	sbr.ind lr, $3  }
0x3a: {  	_ = 	snop  }
0x3b: {  	_ = 	snop  }
0x3c: {  	p2 =	seq.s32 s10, $0x1;
	s10 =	sld [smem:$0x3FB8]  }
0x3d: {  	_ =	shalt  }
0x3e: {  	_ =	shalt  }
0x3f: {  	_ =	shalt  }
0x40: {  	_ =	shalt  }
0x41: {  	_ =	shalt  }
0x42: {  	_ =	shalt  }
0x43: {  	_ =	shalt  }
0x44: {  	_ =	shalt  }
0x45: {  	_ =	shalt  }
0x46: {  	_ =	shalt  }
0x47: {  	_ =	shalt  }
0x48: {  	_ =	shalt  }
0x49: {  	_ =	shalt  }
0x4a: {  	_ =	shalt  }
0x4b: {  	_ =	shalt  }
0x4c: {  	_ =	shalt  }
0x4d: {  	_ =	shalt  }
0x4e: {  	_ =	shalt  }
0x4f: {  	_ =	shalt  }
0x50: {  	_ =	shalt  }
0x51: {  	_ =	shalt  }
0x52: {  	_ =	shalt  }
0x53: {  	_ =	shalt  }
0x54: {  	_ =	shalt  }
0x55: {  	_ =	shalt  }
0x56: {  	_ =	shalt  }
0x57: {  	_ =	shalt  }
0x58: {  	_ =	shalt  }
0x59: {  	_ =	shalt  }
0x5a: {  	_ =	shalt  }
0x5b: {  	_ =	shalt  }
0x5c: {  	_ =	shalt  }
0x5d: {  	_ =	shalt  }
0x5e: {  	_ =	shalt  }
0x5f: {  	_ =	shalt  }
0x60: {  	_ =	shalt  }
0x61: {  	_ =	shalt  }
0x62: {  	_ =	shalt  }
0x63: {  	_ =	shalt  }
0x64: {  	_ =	shalt  }
0x65: {  	_ =	shalt  }
0x66: {  	_ =	shalt  }
0x67: {  	_ =	shalt  }
0x68: {  	_ =	shalt  }
0x69: {  	_ =	shalt  }
0x6a: {  	_ =	shalt  }
0x6b: {  	_ =	shalt  }
0x6c: {  	_ =	shalt  }
0x6d: {  	_ =	shalt  }
0x6e: {  	_ =	shalt  }
0x6f: {  	_ =	shalt  }
0x70: {  	_ =	shalt  }
0x71: {  	_ =	shalt  }
0x72: {  	_ =	shalt  }
0x73: {  	_ =	shalt  }
0x74: {  	_ =	shalt  }
0x75: {  	_ =	shalt  }
0x76: {  	_ =	shalt  }
0x77: {  	_ =	shalt  }
0x78: {  	_ =	shalt  }
0x79: {  	_ =	shalt  }
0x7a: {  	_ =	shalt  }
0x7b: {  	_ =	shalt  }
0x7c: {  	_ =	shalt  }
0x7d: {  	_ =	shalt  }
0x7e: {  	_ =	shalt  }
0x7f: {  	_ =	shalt  }
0x80: {  	_ =	shalt  }
0x81: {  	_ =	shalt  }
0x82: {  	_ =	shalt  }
0x83: {  	_ =	shalt  }
0x84: {  	_ =	shalt  }
0x85: {  	_ =	shalt  }
0x86: {  	_ =	shalt  }
0x87: {  	_ =	shalt  }
.Lfunc_end0:
.L_simem_size_0:
called_computation_lowered:
.L_overlay_start_0:
0x88: {  	s2 =	sld [smem:$0x3FD9]  }
0x89: {  	s3 =	sld [smem:$0x3FFE];
	_ =	sdelay $0x1  }
0x8a: {  	s1 =	srdreg.scid  }
0x8b: {  	s0 =	sand.u32 $0x1, s1  }
0x8c: {  	s14 =	sshll.u32 s0, $0xA;
	s2 =	sadd.s32 s3, s2  }
0x8d: {  	s2 =	sadd.s32 s2, s14  }
0x8e: {  	[smem:$0x3FC4] =	sst s2  }
0x8f: {  	_ = 	snop  }
0x90: {  	s2 =	sld [smem:$0x3FD0];
	_ =	sdelay $0x2  }
0x91: {  	s4 =	simm.s32 $0xA;
	s5 =	simm.s32 $0x10;
	s15 =	sld [smem:$0x3FC6]  }
0x92: {  	[smem:s5], [sflag:s4] =	dma.local [hbm:s2], $0x1  }
0x93: {  	_ =	swait.eq [sflag:s4], $0x1  }
0x94: {  	[sflag:s4] =	ssyncset.done $0x0  }
0x95: {  	[sflag:s4] =	ssyncadd.s32 $0xFFFFFFFF  }
0x96: {  	s16 =	sld [smem:$0x10];
	(tm) =	ssettm $0x1  }
0x97: {  	s17 =	sld [smem:$0x3FFB];
	_ =	sdelay $0x3  }
0x98: {  	_ =	strace s17  }
0x99: {  	s4 =	sld [smem:$0x3FFC];
	_ =	sdelay $0x3  }
0x9a: {  	_ =	strace s4  }
0x9b: {  	s4 =	sld [smem:$0x3FFD];
	_ =	sdelay $0x3  }
0x9c: {  	_ =	strace s4  }
0x9d: {  	_ =	strace $0x8FFFFFFF  }
0x9e: {  	s18 =	sld [smem:$0x3FDB];
	_ =	sdelay $0x1  }
0x9f: {  	s19 =	simm.s32 $_scs_section_size  }
0xa0: {  	s6 =	simm.s32 $_size__tile_overlayer_lowered;
	s7 =	simm.s32 $_tile_overlayer_lowered  }
0xa1: {  	s22 =	simm.s32 $0x1BFF;
	s21 =	sshll.u32 s7, $0x1;
	s4 =	sadd.s32 s19, s18  }
0xa2: {  	s8 =	simm.s32 $0x0;
	s20 =	sshll.u32 s6, $0x1;
	s6 =	sadd.s32 s21, s4  }
0xa3: {  	[timem:s8], [sflag:s22] =	dma.local [hbm:s6], s20  }
0xa4: {  	_ =	swait.ge [sflag:s22], s20  }
0xa5: {  	s5 =	ssub.s32 $0x0, s20;
	[sflag:s22] =	ssyncset.done $0x0  }
0xa6: {  	[sflag:s22] =	ssyncadd.s32 s5;
	_ =	sdelay $0x1  }
0xa7: {  	s23 =	simm.s32 $0x1B8B  }
0xa8: {  	_ =	swait.ge [sflag:s23], $0x1  }
0xa9: {  	[sflag:s23] =	ssyncset.done $0x0  }
0xaa: {  	s25 =	simm.s32 $0x1B8E;
	s24 =	sld [smem:$0x3FFE];
	[sflag:s23] =	ssyncadd.s32 $0xFFFFFFFF  }
0xab: {  	s26 =	simm.s32 $execute0_lowered;
	[smem:$0x3FD2] =	sst s25  }
0xac: {  	s6 =	sshll.u32 s26, $0x1;
	_ =	strace $0x80000046;
	[dreg:$0x1] =	wrdreg $0xFFFFFFFF  }
0xad: {  	s28 =	simm.s32 $_size_execute0_lowered;
	s4 =	sadd.s32 s4, s6;
	[dreg:$0x0] =	wrdreg $0x0  }
0xae: {  	s6 =	sshll.u32 s28, $0x1;
	[dreg:$0x2] =	wrdreg s4  }
0xaf: {  	[dreg:$0x3] =	wrdreg s6  }
0xb0: {  	[dreg:$0x4] =	wrdreg $0xC0  }
0xb1: {  	_ =	task [dreg:s8], $0x5FFFF  }
0xb2: {  	[dreg:$0x1] =	wrdreg $0xFFFFFFFF  }
0xb3: {  	[dreg:$0x0] =	wrdreg $0x60  }
0xb4: {  	[dreg:$0x2] =	wrdreg s15  }
0xb5: {  	[dreg:$0x3] =	wrdreg s24  }
0xb6: {  	[dreg:$0x4] =	wrdreg s16  }
0xb7: {  	[dreg:$0x5] =	wrdreg $0x9  }
0xb8: {  	_ =	task.clear_ibuf [dreg:s8], $0x6FFFF;
	_ =	strace $0x90000046  }
0xb9: {  	s29 =	simm.s32 $0x9;
	_ =	strace $0x80000048  }
0xba: {  	_ =	swait.ge [sflag:s29], $0x1  }
0xbb: {  	[sflag:s29] =	ssyncadd.s32 $0xFFFFFFFF  }
0xbc: {  	_ =	strace $0x90000048  }
0xbd: {  	_ =	sfence  }
0xbe: {  	s30 =	sld [smem:$0x0];
	_ =	sdelay $0x2  }
0xbf: {  	s31 =	sshll.u32 s1, $0xD;
	s1 =	sshrl.u32 s1, $0x2  }
0xc0: {  	s3 =	sand.u32 $0x4000, s31;
	s1 =	sadd.s32 s1, s30  }
0xc1: {  	s0 =	sor.u32 s3, s0;
	s1 =	sshll.u32 s1, $0x11  }
0xc2: {  	s0 =	sor.u32 s1, s0  }
0xc3: {  	s0 =	sadd.s32 $0x8F2B, s0  }
0xc4: {  	[sflag:s0] =	ssyncadd.remote.s32 $0x1  }
0xc5: {  	_ =	sfence.sel $0xFFFF  }
0xc6: {  	[dreg:$0x0] =	wrdreg $0xFFFFFFFF;
	(pc) =	sbr.abs _section_cstart, $3  }
0xc7: {  	[dreg:$0x1] =	wrdreg $0xFFFFFFFF  }
0xc8: {  	_ =	task.clear_ibuf [dreg:s8], $0x2FFFF;
	_ =	strace $0x9FFFFFFF  }
0xc9: {  	(tm) =	ssettm $0x7FFFFFFF  }
tec
execute0_lowered:
.L_overlay_start_1:
0x0: {  	(tag) =	ssettag $0x1  }
0x1: {  	s2 =	srdreg.scid  }
0x2: {  	s0 =	stileid.u32;
	s16 =	sand.u32 $0x1, s2  }
0x3: {  	s1 =	rddreg [dreg:$0x0];
	s31 =	sshll.u32 s0, $0x8;
	s3 =	sshll.u32 s16, $0x7  }
0x4: {  	s4 =	rddreg [dreg:$0x1];
	s13 =	sor.u32 s3, s31  }
0x5: {  	s12 =	rddreg [dreg:$0x2];
	s3 =	simm.s32 $0x0;
	s5 =	sshrl.u32 s13, $0x3  }
0x6: {  	[smem:$0x7FF] =	sst s3;
	s5 =	sadd.s32 s5, s4  }
0x7: {  	s2 =	rddreg [dreg:$0x3];
	_ =	strace $0x80000047;
	s4 =	sadd.s32 $0xE00, s5  }
0x8: {  	[tilespmem:s3], [sflag:$0x1] =	stream.linear.gather [hbm4b:s4+s3], $0x80, $0x38;
	[tilespmem:$0x8100] =	vst v63  }
0x9: {  	s6 =	simm.s32 $0x80;
	s7 =	simm.s32 $0x1;
	s5 =	sadd.s32 $0x1000, s5  }
0xa: {  	[tilespmem:s6], [sflag:$0x2] =	stream.linear.gather [hbm4b:s5+s3], $0x80, $0x38;
	[tilespmem:$0x8100] =	vst v63  }
0xb: {  	_ =	swait.ge [sflag:s7], $0x80  }
0xc: {  	[sflag:s7] =	ssyncset.done $0x0  }
0xd: {  	s9 =	simm.s32 $0x100;
	s8 =	simm.s32 $0x2;
	[sflag:s7] =	ssyncadd.s32 $0xFFFFFF80  }
0xe: {  	[tilespmem:s9], [sflag:$0x3] =	stream.indirect.gather [hbm4b:s1+s6], $0x80, s3, s6, $0xb8;
	[tilespmem:$0x8100] =	vst v63  }
0xf: {  	_ =	swait.ge [sflag:s8], $0x80  }
0x10: {  	s10 =	simm.s32 $0x4100;
	[sflag:s8] =	ssyncset.done $0x0  }
0x11: {  	s11 =	simm.s32 $0x3;
	s14 =	simm.s32 $0x800;
	[sflag:s8] =	ssyncadd.s32 $0xFFFFFF80  }
0x12: {  	[tilespmem:s10], [sflag:$0x4] =	stream.indirect.gather [hbm4b:s1+s6], $0x80, s6, s6, $0xb8;
	[tilespmem:$0x8100] =	vst v63  }
0x13: {  	s15 =	simm.s32 $0x4;
	s17 =	ssub.s32 $0x2, s16;
	_ =	swait.ge [sflag:s11], $0x4000  }
0x14: {  	s18 =	sshrl.u32 s17, $0x1;
	s13 =	sshll.u32 s13, $0x5;
	[sflag:s11] =	ssyncset.done $0x0  }
0x15: {  	s12 =	sadd.s32 s12, s13;
	s13 =	simm.s32 $0x400;
	[sflag:s11] =	ssyncadd.s32 $0xFFFFC000  }
0x16: {  	[hbm4b:s12+s13] =	stream.strided.scatter [tilespmem:s9], [sflag:$0x1], $0x4000, s14, s13, $0x38;
	[tilespmem:$0x8100] =	vst v63  }
0x17: {  	s17 =	ssub.s32 s17, s18;
	_ =	swait.ge [sflag:s15], $0x4000  }
0x18: {  	s17 =	smax.u32 s17, $0x1;
	[sflag:s15] =	ssyncset.done $0x0  }
0x19: {  	s16 =	sadd.s32 $0x80, s12;
	p0 =	sne.s32 s17, $0x1;
	[sflag:s15] =	ssyncadd.s32 $0xFFFFC000  }
0x1a: {  	[hbm4b:s16+s13] =	stream.strided.scatter [tilespmem:s10], [sflag:$0x2], $0x4000, s14, s13, $0x38;
	[tilespmem:$0x8100] =	vst v63  }
.Ltmp0:
0x1b: {  	_ =	swait.ge [sflag:s7], $0x4000;
	(pc) =	sbr.rel @!p0 .LBB2_2-.Ltmp0, $4  }
0x1c: {  	[sflag:s7] =	ssyncset.done $0x0  }
0x1d: {  	[sflag:s7] =	ssyncadd.s32 $0xFFFFC000  }
0x1e: {  	_ =	swait.ge [sflag:s8], $0x4000  }
0x1f: {  	s17 =	sadd.s32 $0xFFFFFFFF, s17;
	[sflag:s8] =	ssyncset.done $0x0  }
.LBB2_1:
0x20: {  	p0 =	sne.s32 s17, $0x1;
	s17 =	sadd.s32 $0xFFFFFFFF, s17;
	[sflag:s8] =	ssyncadd.s32 $0xFFFFC000  }
0x21: {  	[tilespmem:s3], [sflag:$0x1] =	stream.linear.gather [hbm4b:s4+s3], $0x80, $0x38;
	[tilespmem:$0x8100] =	vst v63  }
0x22: {  	_ = 	snop  }
0x23: {  	[tilespmem:s6], [sflag:$0x2] =	stream.linear.gather [hbm4b:s5+s3], $0x80, $0x38;
	[tilespmem:$0x8100] =	vst v63  }
0x24: {  	_ =	swait.ge [sflag:s7], $0x80  }
0x25: {  	[sflag:s7] =	ssyncset.done $0x0  }
0x26: {  	[sflag:s7] =	ssyncadd.s32 $0xFFFFFF80  }
0x27: {  	[tilespmem:s9], [sflag:$0x3] =	stream.indirect.gather [hbm4b:s1+s6], $0x80, s3, s6, $0xb8;
	[tilespmem:$0x8100] =	vst v63  }
0x28: {  	_ =	swait.ge [sflag:s8], $0x80  }
0x29: {  	[sflag:s8] =	ssyncset.done $0x0  }
0x2a: {  	[sflag:s8] =	ssyncadd.s32 $0xFFFFFF80  }
0x2b: {  	[tilespmem:s10], [sflag:$0x4] =	stream.indirect.gather [hbm4b:s1+s6], $0x80, s6, s6, $0xb8;
	[tilespmem:$0x8100] =	vst v63  }
0x2c: {  	_ =	swait.ge [sflag:s11], $0x4000  }
0x2d: {  	[sflag:s11] =	ssyncset.done $0x0  }
0x2e: {  	[sflag:s11] =	ssyncadd.s32 $0xFFFFC000  }
0x2f: {  	[hbm4b:s12+s13] =	stream.strided.scatter [tilespmem:s9], [sflag:$0x1], $0x4000, s14, s13, $0x38;
	[tilespmem:$0x8100] =	vst v63  }
0x30: {  	_ =	swait.ge [sflag:s15], $0x4000  }
0x31: {  	[sflag:s15] =	ssyncset.done $0x0  }
0x32: {  	[sflag:s15] =	ssyncadd.s32 $0xFFFFC000  }
0x33: {  	[hbm4b:s16+s13] =	stream.strided.scatter [tilespmem:s10], [sflag:$0x2], $0x4000, s14, s13, $0x38;
	[tilespmem:$0x8100] =	vst v63  }
.Ltmp1:
0x34: {  	_ =	swait.ge [sflag:s7], $0x4000;
	(pc) =	sbr.rel @p0 .LBB2_1-.Ltmp1, $4  }
0x35: {  	[sflag:s7] =	ssyncset.done $0x0  }
0x36: {  	[sflag:s7] =	ssyncadd.s32 $0xFFFFC000  }
0x37: {  	_ =	swait.ge [sflag:s8], $0x4000  }
0x38: {  	[sflag:s8] =	ssyncset.done $0x0  }
.LBB2_2:
0x39: {  	[sflag:s8] =	ssyncadd.s32 $0xFFFFC000  }
0x3a: {  	_ =	sfence.sel $0x180000  }
0x3b: {  	[bflag:$0x0] =	sbarrier.arrive $0xFFFF  }
0x3c: {  	p0 =	sne.s32 s0, $0x0;
	_ =	strace $0x90000047  }
0x3d: {  	s0 =	sadd.s32 @!p0 $0x100000, s2;
	[bflag:$0x2] =	sbarrier.arrive $0xFFFF  }
0x3e: {  	[sflag:s0] =	ssyncadd.tile.s32 @!p0 $0x1;
	_ =	shalt  }
.Lfunc_end2:
_tile_overlayer_lowered:
.L_overlay_start_2:
0x3f: {  	(tag) =	ssettag $0x2  }
0x40: {  	s0 =	rddreg [dreg:$0x0];
	s2 =	stileid.u32  }
0x41: {  	s1 =	rddreg [dreg:$0x1];
	p0 =	sne.s32 s2, $0x0  }
0x42: {  	s3 =	rddreg [dreg:$0x2];
	[bflag:$0x3] =	sbarrier.arrive $0xFFFF;
	s2 =	simm.s32 @!p0 $0x1C05  }
0x43: {  	[timem:s3], [sflag:s2] =	dma.local @!p0 [hbm:s0], s1  }
0x44: {  	s0 =	simm.s32 @!p0 $0x5  }
0x45: {  	_ =	swait.ge @!p0 [sflag:s0], s1  }
0x46: {  	s1 =	ssub.s32 @!p0 $0x0, s1;
	[sflag:s0] =	ssyncset.done @!p0 $0x0  }
0x47: {  	[sflag:s0] =	ssyncadd.s32 @!p0 s1  }
0x48: {  	[bflag:$0x3] =	sbarrier.arrive $0xFFFF  }
0x49: {  	_ =	shalt  }

</sc_bundles>
